<compile_context>
chip_gen: v7x
topology: tpu7x:2x2x1
jax: 0.10.2.dev20260603
libtpu: 0.0.44.dev20260713+nightly
codegen_flags: <defaults>
</compile_context>

<pallas_src>
import functools

import jax
import jax.numpy as jnp
from jax import lax
from jax.experimental import pallas as pl
from jax.experimental.pallas import tpu as pltpu
from jax.experimental.pallas import tpu_sc as plsc

_B, _N, _D = 32, 8192, 32
_K = 128
_XW = 8
_FMIN = -3.4028235e38


def _topk_gather(sim_flat, xcat_flat):
    info = plsc.get_sparse_core_info()
    nc, ns = info.num_cores, info.num_subcores
    nw = nc * ns
    per_w = _B // nw if nw <= _B else 1
    mesh = plsc.VectorSubcoreMesh(core_axis_name="c", subcore_axis_name="s")
    nchunk = _N // 16
    nvec = nchunk // 16

    @functools.partial(
        pl.kernel,
        out_type=jax.ShapeDtypeStruct((_B * _K, _XW), jnp.float32),
        mesh=mesh,
        compiler_params=pltpu.CompilerParams(needs_layout_passes=False,
                                             use_tc_tiling_on_sc=False),
        scratch_types=[
            pltpu.VMEM((_N,), jnp.float32),
            pltpu.VMEM((nchunk,), jnp.float32),
            pltpu.VMEM((nvec * 16,), jnp.float32),
            pltpu.VMEM((_K,), jnp.int32),
            pltpu.VMEM((_K, _XW), jnp.float32),
            pltpu.SemaphoreType.DMA,
        ],
    )
    def k(sim_hbm, xcat_hbm, out_hbm, sim_v, cm_v, scm_v, idx_v, rows_v, sem):
        wid = lax.axis_index("s") * nc + lax.axis_index("c")
        lanes = lax.iota(jnp.int32, 16)
        big = jnp.int32(9999)
        lane0 = lanes == 0

        def store1(ref, pos, val):
            plsc.store_scatter(ref, [jnp.full((16,), pos, jnp.int32)],
                               jnp.full((16,), val), mask=lane0)

        for b0 in range(per_w):
            b = wid * per_w + b0
            pltpu.sync_copy(sim_hbm.at[pl.ds(b * _N, _N)], sim_v)

            def cm_body(i, carry):
                store1(cm_v, i, jnp.max(sim_v[pl.ds(i * 16, 16)]))
                return carry

            lax.fori_loop(0, nchunk, cm_body, 0)

            def scm_body(j, carry):
                store1(scm_v, j, jnp.max(cm_v[pl.ds(j * 16, 16)]))
                return carry

            lax.fori_loop(0, nvec, scm_body, 0)

            def ext_body(ki, carry):
                s0 = scm_v[pl.ds(0, 16)]
                s1 = scm_v[pl.ds(16, 16)]
                m = jnp.maximum(jnp.max(s0), jnp.max(s1))
                j0 = jnp.min(jnp.where(s0 == m, lanes, big))
                j1 = jnp.min(jnp.where(s1 == m, lanes, big)) + 16
                j = jnp.minimum(j0, j1)
                cmv = cm_v[pl.ds(j * 16, 16)]
                l2 = jnp.min(jnp.where(cmv == m, lanes, big))
                chunk = j * 16 + l2
                dv = sim_v[pl.ds(chunk * 16, 16)]
                lane = jnp.min(jnp.where(dv == m, lanes, big))
                store1(idx_v, ki, chunk * 16 + lane + b * _N)
                dv2 = jnp.where(lanes == lane, jnp.float32(_FMIN), dv)
                sim_v[pl.ds(chunk * 16, 16)] = dv2
                nm = jnp.max(dv2)
                store1(cm_v, chunk, nm)
                store1(scm_v, j, jnp.max(jnp.where(lanes == l2, nm, cmv)))
                return carry

            lax.fori_loop(0, _K, ext_body, 0)

            pltpu.async_copy(xcat_hbm.at[idx_v], rows_v, sem).wait()
            pltpu.sync_copy(rows_v, out_hbm.at[pl.ds(b * _K, _K)])

    return k(sim_flat, xcat_flat)


def _mlp_body(x_ref, w1_ref, b1_ref, w2_ref, b2_ref, w3_ref, b3_ref,
              w4_ref, b4_ref, out_ref):
    def mm(a, w):
        return jnp.dot(a.astype(jnp.bfloat16), w.astype(jnp.bfloat16),
                       preferred_element_type=jnp.float32)

    h = x_ref[...]
    h = jnp.maximum(mm(h, w1_ref[...]) + b1_ref[...], 0.0)
    h = jnp.maximum(mm(h, w2_ref[...]) + b2_ref[...], 0.0)
    h = jnp.maximum(mm(h, w3_ref[...]) + b3_ref[...], 0.0)
    out_ref[...] = mm(h, w4_ref[...]) + b4_ref[...]


def _mlp_call(flat, W1, b1, W2, b2, W3, b3, W4, b4):
    return pl.pallas_call(
        _mlp_body,
        out_shape=jax.ShapeDtypeStruct((_B, 7), jnp.float32),
    )(flat, W1, b1.reshape(1, -1), W2, b2.reshape(1, -1),
      W3, b3.reshape(1, -1), W4, b4.reshape(1, -1))


def _normalize(v, axis=-1):
    n = jnp.sqrt(jnp.sum(v * v, axis=axis, keepdims=True))
    return v / jnp.maximum(n, 1e-12)


def _quat_to_mat(q):
    q = _normalize(q)
    qx, qy, qz, qw = q[..., 0], q[..., 1], q[..., 2], q[..., 3]
    r00 = 1 - 2 * (qy ** 2 + qz ** 2)
    r01 = 2 * (qx * qy - qz * qw)
    r02 = 2 * (qx * qz + qy * qw)
    r10 = 2 * (qx * qy + qz * qw)
    r11 = 1 - 2 * (qx ** 2 + qz ** 2)
    r12 = 2 * (qy * qz - qx * qw)
    r20 = 2 * (qx * qz - qy * qw)
    r21 = 2 * (qy * qz + qx * qw)
    r22 = 1 - 2 * (qx ** 2 + qy ** 2)
    row0 = jnp.stack([r00, r01, r02], -1)
    row1 = jnp.stack([r10, r11, r12], -1)
    row2 = jnp.stack([r20, r21, r22], -1)
    return jnp.stack([row0, row1, row2], -2)


def _pose_to_quat(Rm):
    tr = jnp.trace(Rm, axis1=1, axis2=2)
    r = lambda i, j: Rm[:, i, j]
    eps = 1e-9
    S0 = jnp.sqrt(jnp.maximum(tr + 1.0, eps)) * 2.0
    q0 = jnp.stack([0.25 * S0, (r(2, 1) - r(1, 2)) / S0, (r(0, 2) - r(2, 0)) / S0, (r(1, 0) - r(0, 1)) / S0], -1)
    S1 = jnp.sqrt(jnp.maximum(1.0 + r(0, 0) - r(1, 1) - r(2, 2), eps)) * 2.0
    q1 = jnp.stack([(r(2, 1) - r(1, 2)) / S1, 0.25 * S1, (r(0, 1) + r(1, 0)) / S1, (r(0, 2) + r(2, 0)) / S1], -1)
    S2 = jnp.sqrt(jnp.maximum(1.0 + r(1, 1) - r(0, 0) - r(2, 2), eps)) * 2.0
    q2 = jnp.stack([(r(0, 2) - r(2, 0)) / S2, (r(0, 1) + r(1, 0)) / S2, 0.25 * S2, (r(1, 2) + r(2, 1)) / S2], -1)
    S3 = jnp.sqrt(jnp.maximum(1.0 + r(2, 2) - r(0, 0) - r(1, 1), eps)) * 2.0
    q3 = jnp.stack([(r(1, 0) - r(0, 1)) / S3, (r(0, 2) + r(2, 0)) / S3, (r(1, 2) + r(2, 1)) / S3, 0.25 * S3], -1)
    c0 = (tr > 0.0)[:, None]
    c1 = ((r(0, 0) > r(1, 1)) & (r(0, 0) > r(2, 2)))[:, None]
    c2 = (r(1, 1) > r(2, 2))[:, None]
    return jnp.where(c0, q0, jnp.where(c1, q1, jnp.where(c2, q2, q3)))


def kernel(h_src, x_src, edges_src, edge_attr_src, h_tgt, x_tgt, edges_tgt,
           edge_attr_tgt, corr, labels, W1, b1, W2, b2, W3, b3, W4, b4):
    scores = jnp.sum(h_src * h_tgt, axis=-1)

    pad = jnp.zeros((_B, _N, _XW - 6), jnp.float32)
    xcat = jnp.concatenate([x_src, x_tgt, pad], axis=-1).reshape(_B * _N, _XW)
    cx = _topk_gather(scores.reshape(_B * _N), xcat).reshape(_B, _K, _XW)

    mask = labels[..., 0] != 0
    maskf = mask.astype(x_src.dtype)
    ms = jnp.where(mask, scores, -1e30)
    w = jax.nn.softmax(ms, axis=-1) * maskf
    has = jnp.any(mask, axis=-1)
    src_c = jnp.sum(w[..., None] * x_src, axis=1)
    tgt_c = jnp.sum(w[..., None] * x_tgt, axis=1)
    sc = x_src - src_c[:, None, :]
    tc = x_tgt - tgt_c[:, None, :]
    H = jnp.einsum('bn,bni,bnj->bij', w, sc, tc)
    eye = jnp.broadcast_to(jnp.eye(3, dtype=x_src.dtype), H.shape)
    Hs = jnp.where(has[:, None, None], H, eye)
    U, S, Vt = jnp.linalg.svd(Hs)
    R1 = jnp.einsum('bji,bkj->bik', Vt, U)
    det = jnp.linalg.det(R1)
    sign = jnp.where(det < 0, -1.0, 1.0)
    factor = jnp.concatenate([jnp.ones((sign.shape[0], 2), dtype=Vt.dtype), sign[:, None]], -1)[..., None]
    Vt2 = Vt * factor
    Rk = jnp.einsum('bji,bkj->bik', Vt2, U)
    Rk = jnp.where(has[:, None, None], Rk, eye)
    t = tgt_c - jnp.einsum('bij,bj->bi', Rk, src_c)
    t = jnp.where(has[:, None], t, 0.0)

    flat = cx[:, :, 0:6].reshape(_B, _K * 6)
    delta = _mlp_call(flat, W1, b1, W2, b2, W3, b3, W4, b4)
    dq = _normalize(delta[:, :4])
    dt = delta[:, 4:]
    dR = _quat_to_mat(dq)
    rR = jnp.einsum('bij,bjk->bik', dR, Rk)
    rt = t + dt
    top = jnp.concatenate([rR, rt[:, :, None]], -1)
    bottom = jnp.broadcast_to(jnp.array([0.0, 0.0, 0.0, 1.0], dtype=rR.dtype), (_B, 1, 4))
    pose = jnp.concatenate([top, bottom], 1)
    quat = _normalize(_pose_to_quat(pose))
    trans = pose[:, :3, 3]
    return (quat, trans, h_src, x_src, h_tgt, x_tgt, labels)

# --- scband reference (transcript-rebuilt; emitter-appended) ---
"""Pipeline reference for scband-cross-attention-pose-regression-26190710571147 (READ-ONLY COPY).

The authoritative reference and input builder live on the scoring server;
editing this copy changes nothing except your own understanding.
"""

import jax, jax.numpy as jnp
import numpy as np

B, N, D = 32, 8192, 32
K = 128
E = 131072


def _normalize(v, axis=-1):
    n = jnp.sqrt(jnp.sum(v * v, axis=axis, keepdims=True))
    return v / jnp.maximum(n, 1e-12)


def _quat_to_mat(q):
    q = _normalize(q)
    qx, qy, qz, qw = q[..., 0], q[..., 1], q[..., 2], q[..., 3]
    r00 = 1 - 2 * (qy ** 2 + qz ** 2)
    r01 = 2 * (qx * qy - qz * qw)
    r02 = 2 * (qx * qz + qy * qw)
    r10 = 2 * (qx * qy + qz * qw)
    r11 = 1 - 2 * (qx ** 2 + qz ** 2)
    r12 = 2 * (qy * qz - qx * qw)
    r20 = 2 * (qx * qz - qy * qw)
    r21 = 2 * (qy * qz + qx * qw)
    r22 = 1 - 2 * (qx ** 2 + qy ** 2)
    row0 = jnp.stack([r00, r01, r02], -1)
    row1 = jnp.stack([r10, r11, r12], -1)
    row2 = jnp.stack([r20, r21, r22], -1)
    return jnp.stack([row0, row1, row2], -2)


def _pose_to_quat(Rm):
    # faithful to rotation_matrix_to_quaternion_batch applied to [B,4,4] (trace includes the bottom-right 1)
    tr = jnp.trace(Rm, axis1=1, axis2=2)
    r = lambda i, j: Rm[:, i, j]
    eps = 1e-9
    S0 = jnp.sqrt(jnp.maximum(tr + 1.0, eps)) * 2.0
    q0 = jnp.stack([0.25 * S0, (r(2, 1) - r(1, 2)) / S0, (r(0, 2) - r(2, 0)) / S0, (r(1, 0) - r(0, 1)) / S0], -1)
    S1 = jnp.sqrt(jnp.maximum(1.0 + r(0, 0) - r(1, 1) - r(2, 2), eps)) * 2.0
    q1 = jnp.stack([(r(2, 1) - r(1, 2)) / S1, 0.25 * S1, (r(0, 1) + r(1, 0)) / S1, (r(0, 2) + r(2, 0)) / S1], -1)
    S2 = jnp.sqrt(jnp.maximum(1.0 + r(1, 1) - r(0, 0) - r(2, 2), eps)) * 2.0
    q2 = jnp.stack([(r(0, 2) - r(2, 0)) / S2, (r(0, 1) + r(1, 0)) / S2, 0.25 * S2, (r(1, 2) + r(2, 1)) / S2], -1)
    S3 = jnp.sqrt(jnp.maximum(1.0 + r(2, 2) - r(0, 0) - r(1, 1), eps)) * 2.0
    q3 = jnp.stack([(r(1, 0) - r(0, 1)) / S3, (r(0, 2) + r(2, 0)) / S3, (r(1, 2) + r(2, 1)) / S3, 0.25 * S3], -1)
    c0 = (tr > 0.0)[:, None]
    c1 = ((r(0, 0) > r(1, 1)) & (r(0, 0) > r(2, 2)))[:, None]
    c2 = (r(1, 1) > r(2, 2))[:, None]
    return jnp.where(c0, q0, jnp.where(c1, q1, jnp.where(c2, q2, q3)))


def _weighted_kabsch(h_src, h_tgt, x_src, x_tgt, mask):
    maskf = mask.astype(x_src.dtype)
    scores = jnp.sum(h_src * h_tgt, -1)
    ms = jnp.where(mask, scores, -1e30)
    w = jax.nn.softmax(ms, axis=-1) * maskf
    has = jnp.any(mask, axis=-1)
    src_c = jnp.sum(w[..., None] * x_src, axis=1)
    tgt_c = jnp.sum(w[..., None] * x_tgt, axis=1)
    sc = x_src - src_c[:, None, :]
    tc = x_tgt - tgt_c[:, None, :]
    H = jnp.einsum('bn,bni,bnj->bij', w, sc, tc)
    eye = jnp.broadcast_to(jnp.eye(3, dtype=x_src.dtype), H.shape)
    Hs = jnp.where(has[:, None, None], H, eye)
    U, S, Vt = jnp.linalg.svd(Hs)
    R1 = jnp.einsum('bji,bkj->bik', Vt, U)
    det = jnp.linalg.det(R1)
    sign = jnp.where(det < 0, -1.0, 1.0)
    factor = jnp.concatenate([jnp.ones((sign.shape[0], 2), dtype=Vt.dtype), sign[:, None]], -1)[..., None]
    Vt2 = Vt * factor
    Rk = jnp.einsum('bji,bkj->bik', Vt2, U)
    Rk = jnp.where(has[:, None, None], Rk, eye)
    t = tgt_c - jnp.einsum('bij,bj->bi', Rk, src_c)
    t = jnp.where(has[:, None], t, 0.0)
    return Rk, t


def _forward(h_src, x_src, h_tgt, x_tgt, labels, W1, b1, W2, b2, W3, b3, W4, b4):
    Bq, Nq, Dq = h_src.shape
    sim = jnp.sum(h_src * h_tgt, axis=-1)
    top_scores, top_idx = jax.lax.top_k(sim, K)
    ih = jnp.broadcast_to(top_idx[:, :, None], (Bq, K, Dq))
    ix = jnp.broadcast_to(top_idx[:, :, None], (Bq, K, 3))
    ch_src = jnp.take_along_axis(h_src, ih, axis=1)
    ch_tgt = jnp.take_along_axis(h_tgt, ih, axis=1)
    cx_src = jnp.take_along_axis(x_src, ix, axis=1)
    cx_tgt = jnp.take_along_axis(x_tgt, ix, axis=1)
    mask = labels[..., 0] != 0
    Rk, t = _weighted_kabsch(h_src, h_tgt, x_src, x_tgt, mask)
    flat = jnp.concatenate([cx_src, cx_tgt], -1).reshape(Bq, -1)
    h = jax.nn.relu(flat @ W1 + b1)
    h = jax.nn.relu(h @ W2 + b2)
    h = jax.nn.relu(h @ W3 + b3)
    delta = h @ W4 + b4
    dq = _normalize(delta[:, :4])
    dt = delta[:, 4:]
    dR = _quat_to_mat(dq)
    rR = jnp.einsum('bij,bjk->bik', dR, Rk)
    rt = t + dt
    top = jnp.concatenate([rR, rt[:, :, None]], -1)
    bottom = jnp.broadcast_to(jnp.array([0.0, 0.0, 0.0, 1.0], dtype=rR.dtype), (Bq, 1, 4))
    pose = jnp.concatenate([top, bottom], 1)
    quat = _normalize(_pose_to_quat(pose))
    trans = pose[:, :3, 3]
    return quat, trans


def setup_inputs(seed: int = 0):
    key = jax.random.key(seed)
    ks = jax.random.split(key, 18)
    inp = {}
    inp['h_src'] = jax.random.normal(ks[0], (B, N, D), jnp.float32)
    inp['x_src'] = jax.random.normal(ks[1], (B, N, 3), jnp.float32)
    inp['edges_src'] = jax.random.randint(ks[2], (2, E), 0, N)
    inp['edge_attr_src'] = jax.random.normal(ks[3], (E, 4), jnp.float32)
    inp['h_tgt'] = jax.random.normal(ks[4], (B, N, D), jnp.float32)
    inp['x_tgt'] = jax.random.normal(ks[5], (B, N, 3), jnp.float32)
    inp['edges_tgt'] = jax.random.randint(ks[6], (2, E), 0, N)
    inp['edge_attr_tgt'] = jax.random.normal(ks[7], (E, 4), jnp.float32)
    inp['corr'] = jax.random.randint(ks[8], (B, N), 0, N)
    inp['labels'] = jax.random.randint(ks[9], (B, N, 1), 0, 2)
    inp['W1'] = jax.random.normal(ks[10], (K * 2 * 3, 256), jnp.float32) * 0.05
    inp['b1'] = jnp.zeros((256,), jnp.float32)
    inp['W2'] = jax.random.normal(ks[11], (256, 128), jnp.float32) * 0.05
    inp['b2'] = jnp.zeros((128,), jnp.float32)
    inp['W3'] = jax.random.normal(ks[12], (128, 64), jnp.float32) * 0.05
    inp['b3'] = jnp.zeros((64,), jnp.float32)
    inp['W4'] = jax.random.normal(ks[13], (64, 7), jnp.float32) * 0.05
    inp['b4'] = jnp.zeros((7,), jnp.float32)
    return inp


def reference(h_src, x_src, edges_src, edge_attr_src, h_tgt, x_tgt, edges_tgt, edge_attr_tgt, corr, labels, W1, b1, W2, b2, W3, b3, W4, b4):
    quat, trans = _forward(h_src, x_src, h_tgt, x_tgt, labels, W1, b1, W2, b2, W3, b3, W4, b4)
    return (quat, trans, h_src, x_src, h_tgt, x_tgt, labels)

if __name__ == "__main__":
    import jax
    _d = setup_inputs()
    print(jax.jit(kernel)(*tuple(_d.values())))

</pallas_src>

<mosaic_0001>
#map = affine_map<(d0, d1) -> (0)>
#map1 = affine_map<(d0, d1) -> (0, 0)>
module attributes {stable_mosaic.version = 14 : i64} {
  func.func @k(%arg0: i32, %arg1: i32, %arg2: memref<262144xf32, #tpu.memory_space<hbm>>, %arg3: memref<262144x8xf32, #tpu.memory_space<hbm>>, %arg4: memref<4096x8xf32, #tpu.memory_space<hbm>>, %arg5: memref<8192xf32, #tpu.memory_space<vmem>>, %arg6: memref<512xf32, #tpu.memory_space<vmem>>, %arg7: memref<512xf32, #tpu.memory_space<vmem>>, %arg8: memref<128xi32, #tpu.memory_space<vmem>>, %arg9: memref<128x8xf32, #tpu.memory_space<vmem>>, %arg10: memref<!tpu.dma_semaphore, #tpu.memory_space<semaphore_mem>>) attributes {dimension_semantics = [#tpu.dimension_semantics<core_parallel>, #tpu.dimension_semantics<subcore_parallel>], iteration_bounds = array<i64: 2, 16>, scalar_prefetch = 0 : i64, scratch_operands = 6 : i64, tpu.core_type = #tpu.core_type<sc_vector_subcore>, window_params = [{transform_indices = #map}, {transform_indices = #map1}, {transform_indices = #map1}]} {
    %mul3A = arith.constant 2 : i32
    %mul3A_0 = arith.muli %arg1, %mul3A : i32
    %add3A = arith.addi %mul3A_0, %arg0 : i32
    %iota3A = tpu.iota {dimensions = array<i32: 0>} : vector<16xi32>
    %eq3A = arith.constant 0 : i32
    %eq3A_1 = vector.broadcast %eq3A : i32 to vector<16xi32>
    %eq3A_2 = arith.cmpi eq, %iota3A, %eq3A_1 : vector<16xi32>
    %mul3A_3 = arith.constant 1 : i32
    %mul3A_4 = arith.muli %add3A, %mul3A_3 : i32
    %add3A_5 = arith.constant 0 : i32
    %add3A_6 = arith.addi %mul3A_4, %add3A_5 : i32
    %mul3A_7 = arith.constant 8192 : i32
    %mul3A_8 = arith.muli %add3A_6, %mul3A_7 : i32
    "tpu.region"() ({
      %run_scoped3A = tpu.sem_alloc : memref<!tpu.dma_semaphore, #tpu.memory_space<semaphore_mem>>
      %dma_start3A_33 = tpu.memref_slice %arg2[%mul3A_8] : memref<262144xf32, #tpu.memory_space<hbm>> -> memref<8192xf32, #tpu.memory_space<hbm>>
      %dma_start3A_34 = tpu.memref_slice %arg2[%mul3A_8] : memref<262144xf32, #tpu.memory_space<hbm>> -> memref<8192xf32, #tpu.memory_space<hbm>>
      tpu.enqueue_dma source(%dma_start3A_34 : memref<8192xf32, #tpu.memory_space<hbm>>) target(%arg5 : memref<8192xf32, #tpu.memory_space<vmem>>) target_semaphore(%run_scoped3A : memref<!tpu.dma_semaphore, #tpu.memory_space<semaphore_mem>>)
      %dma_wait3A_35 = tpu.memref_slice %arg2[%mul3A_8] : memref<262144xf32, #tpu.memory_space<hbm>> -> memref<8192xf32, #tpu.memory_space<hbm>>
      %dma_wait3A_36 = tpu.memref_slice %arg2[%mul3A_8] : memref<262144xf32, #tpu.memory_space<hbm>> -> memref<8192xf32, #tpu.memory_space<hbm>>
      tpu.wait_dma2 semaphore(%run_scoped3A : memref<!tpu.dma_semaphore, #tpu.memory_space<semaphore_mem>>) src(%dma_wait3A_36 : memref<8192xf32, #tpu.memory_space<hbm>>) dst(%arg5 : memref<8192xf32, #tpu.memory_space<vmem>>)
      tpu.yield
    }) : () -> ()
    %scan3A = arith.constant 0 : i32
    %scan3A_9 = arith.constant 0 : i32
    %scan3A_10 = arith.constant 512 : i32
    %scan3A_11 = arith.addi %scan3A_9, %scan3A_10 : i32
    %scan3A_12 = arith.constant 1 : i32
    scf.for %scan3A_33 = %scan3A_9 to %scan3A_11 step %scan3A_12  : i32 {
      %mul3A_34 = arith.constant 16 : i32
      %mul3A_35 = arith.muli %scan3A_33, %mul3A_34 : i32
      %get3A = arith.index_cast %mul3A_35 : i32 to index
      %get3A_36 = tpu.vector_load %arg5[%get3A] {strides = array<i32>} : memref<8192xf32, #tpu.memory_space<vmem>>, vector<16xf32>,
      %reduce_max3A = arith.constant true
      %reduce_max3A_37 = vector.broadcast %reduce_max3A : i1 to vector<16xi1>
      %reduce_max3A_38 = tpu.scan <max>, %get3A_36 masked %reduce_max3A_37 : vector<16xf32>, vector<16xi1> -> vector<16xf32>
      %reduce_max3A_39 = vector.extract %reduce_max3A_38[15] : f32 from vector<16xf32>
      %broadcast_in_dim3A = vector.broadcast %scan3A_33 : i32 to vector<16xi32>
      %broadcast_in_dim3A_40 = vector.broadcast %reduce_max3A_39 : f32 to vector<16xf32>
      tpu.vector_store_idx %arg6[%broadcast_in_dim3A], %broadcast_in_dim3A_40 masked %eq3A_2 : memref<512xf32, #tpu.memory_space<vmem>>[vector<16xi32>], vector<16xf32>, vector<16xi1>
    }
    %scan3A_13 = arith.constant 512 : i32
    %scan3A_14 = arith.constant 0 : i32
    %scan3A_15 = arith.constant 0 : i32
    %scan3A_16 = arith.constant 32 : i32
    %scan3A_17 = arith.addi %scan3A_15, %scan3A_16 : i32
    %scan3A_18 = arith.constant 1 : i32
    scf.for %scan3A_33 = %scan3A_15 to %scan3A_17 step %scan3A_18  : i32 {
      %mul3A_34 = arith.constant 16 : i32
      %mul3A_35 = arith.muli %scan3A_33, %mul3A_34 : i32
      %get3A = arith.index_cast %mul3A_35 : i32 to index
      %get3A_36 = tpu.vector_load %arg6[%get3A] {strides = array<i32>} : memref<512xf32, #tpu.memory_space<vmem>>, vector<16xf32>,
      %reduce_max3A = arith.constant true
      %reduce_max3A_37 = vector.broadcast %reduce_max3A : i1 to vector<16xi1>
      %reduce_max3A_38 = tpu.scan <max>, %get3A_36 masked %reduce_max3A_37 : vector<16xf32>, vector<16xi1> -> vector<16xf32>
      %reduce_max3A_39 = vector.extract %reduce_max3A_38[15] : f32 from vector<16xf32>
      %broadcast_in_dim3A = vector.broadcast %scan3A_33 : i32 to vector<16xi32>
      %broadcast_in_dim3A_40 = vector.broadcast %reduce_max3A_39 : f32 to vector<16xf32>
      tpu.vector_store_idx %arg7[%broadcast_in_dim3A], %broadcast_in_dim3A_40 masked %eq3A_2 : memref<512xf32, #tpu.memory_space<vmem>>[vector<16xi32>], vector<16xf32>, vector<16xi1>
    }
    %scan3A_19 = arith.constant 32 : i32
    %scan3A_20 = arith.constant 0 : i32
    %scan3A_21 = arith.constant 9999 : i32
    %scan3A_22 = arith.constant 0 : i32
    %scan3A_23 = arith.constant 128 : i32
    %scan3A_24 = arith.addi %scan3A_22, %scan3A_23 : i32
    %scan3A_25 = arith.constant 1 : i32
    scf.for %scan3A_33 = %scan3A_22 to %scan3A_24 step %scan3A_25  : i32 {
      %get3A = arith.constant 0 : index
      %get3A_34 = tpu.vector_load %arg7[%get3A] {strides = array<i32>} : memref<512xf32, #tpu.memory_space<vmem>>, vector<16xf32>,
      %get3A_35 = arith.constant 16 : index
      %get3A_36 = tpu.vector_load %arg7[%get3A_35] {strides = array<i32>} : memref<512xf32, #tpu.memory_space<vmem>>, vector<16xf32>,
      %reduce_max3A = arith.constant true
      %reduce_max3A_37 = vector.broadcast %reduce_max3A : i1 to vector<16xi1>
      %reduce_max3A_38 = tpu.scan <max>, %get3A_34 masked %reduce_max3A_37 : vector<16xf32>, vector<16xi1> -> vector<16xf32>
      %reduce_max3A_39 = vector.extract %reduce_max3A_38[15] : f32 from vector<16xf32>
      %reduce_max3A_40 = arith.constant true
      %reduce_max3A_41 = vector.broadcast %reduce_max3A_40 : i1 to vector<16xi1>
      %reduce_max3A_42 = tpu.scan <max>, %get3A_36 masked %reduce_max3A_41 : vector<16xf32>, vector<16xi1> -> vector<16xf32>
      %reduce_max3A_43 = vector.extract %reduce_max3A_42[15] : f32 from vector<16xf32>
      %max3A = arith.maximumf %reduce_max3A_39, %reduce_max3A_43 : f32
      %eq3A_44 = vector.broadcast %max3A : f32 to vector<16xf32>
      %eq3A_45 = arith.cmpf oeq, %get3A_34, %eq3A_44 : vector<16xf32>
      %broadcast_in_dim3A = vector.broadcast %scan3A_21 : i32 to vector<16xi32>
      %select_n3A = arith.select %eq3A_45, %iota3A, %broadcast_in_dim3A : vector<16xi1>, vector<16xi32>
      %reduce_min3A = arith.constant true
      %reduce_min3A_46 = vector.broadcast %reduce_min3A : i1 to vector<16xi1>
      %reduce_min3A_47 = arith.constant -2147483648 : i32
      %reduce_min3A_48 = vector.broadcast %reduce_min3A_47 : i32 to vector<16xi32>
      %reduce_min3A_49 = arith.xori %select_n3A, %reduce_min3A_48 : vector<16xi32>
      %reduce_min3A_50 = tpu.scan <min>, %reduce_min3A_49 masked %reduce_min3A_46 : vector<16xi32>, vector<16xi1> -> vector<16xi32>
      %reduce_min3A_51 = arith.xori %reduce_min3A_50, %reduce_min3A_48 : vector<16xi32>
      %reduce_min3A_52 = vector.extract %reduce_min3A_51[15] : i32 from vector<16xi32>
      %eq3A_53 = vector.broadcast %max3A : f32 to vector<16xf32>
      %eq3A_54 = arith.cmpf oeq, %get3A_36, %eq3A_53 : vector<16xf32>
      %broadcast_in_dim3A_55 = vector.broadcast %scan3A_21 : i32 to vector<16xi32>
      %select_n3A_56 = arith.select %eq3A_54, %iota3A, %broadcast_in_dim3A_55 : vector<16xi1>, vector<16xi32>
      %reduce_min3A_57 = arith.constant true
      %reduce_min3A_58 = vector.broadcast %reduce_min3A_57 : i1 to vector<16xi1>
      %reduce_min3A_59 = arith.constant -2147483648 : i32
      %reduce_min3A_60 = vector.broadcast %reduce_min3A_59 : i32 to vector<16xi32>
      %reduce_min3A_61 = arith.xori %select_n3A_56, %reduce_min3A_60 : vector<16xi32>
      %reduce_min3A_62 = tpu.scan <min>, %reduce_min3A_61 masked %reduce_min3A_58 : vector<16xi32>, vector<16xi1> -> vector<16xi32>
      %reduce_min3A_63 = arith.xori %reduce_min3A_62, %reduce_min3A_60 : vector<16xi32>
      %reduce_min3A_64 = vector.extract %reduce_min3A_63[15] : i32 from vector<16xi32>
      %add3A_65 = arith.constant 16 : i32
      %add3A_66 = arith.addi %reduce_min3A_64, %add3A_65 : i32
      %min3A = arith.minsi %reduce_min3A_52, %add3A_66 : i32
      %mul3A_67 = arith.constant 16 : i32
      %mul3A_68 = arith.muli %min3A, %mul3A_67 : i32
      %get3A_69 = arith.index_cast %mul3A_68 : i32 to index
      %get3A_70 = tpu.vector_load %arg6[%get3A_69] {strides = array<i32>} : memref<512xf32, #tpu.memory_space<vmem>>, vector<16xf32>,
      %eq3A_71 = vector.broadcast %max3A : f32 to vector<16xf32>
      %eq3A_72 = arith.cmpf oeq, %get3A_70, %eq3A_71 : vector<16xf32>
      %broadcast_in_dim3A_73 = vector.broadcast %scan3A_21 : i32 to vector<16xi32>
      %select_n3A_74 = arith.select %eq3A_72, %iota3A, %broadcast_in_dim3A_73 : vector<16xi1>, vector<16xi32>
      %reduce_min3A_75 = arith.constant true
      %reduce_min3A_76 = vector.broadcast %reduce_min3A_75 : i1 to vector<16xi1>
      %reduce_min3A_77 = arith.constant -2147483648 : i32
      %reduce_min3A_78 = vector.broadcast %reduce_min3A_77 : i32 to vector<16xi32>
      %reduce_min3A_79 = arith.xori %select_n3A_74, %reduce_min3A_78 : vector<16xi32>
      %reduce_min3A_80 = tpu.scan <min>, %reduce_min3A_79 masked %reduce_min3A_76 : vector<16xi32>, vector<16xi1> -> vector<16xi32>
      %reduce_min3A_81 = arith.xori %reduce_min3A_80, %reduce_min3A_78 : vector<16xi32>
      %reduce_min3A_82 = vector.extract %reduce_min3A_81[15] : i32 from vector<16xi32>
      %mul3A_83 = arith.constant 16 : i32
      %mul3A_84 = arith.muli %min3A, %mul3A_83 : i32
      %add3A_85 = arith.addi %mul3A_84, %reduce_min3A_82 : i32
      %mul3A_86 = arith.constant 16 : i32
      %mul3A_87 = arith.muli %add3A_85, %mul3A_86 : i32
      %get3A_88 = arith.index_cast %mul3A_87 : i32 to index
      %get3A_89 = tpu.vector_load %arg5[%get3A_88] {strides = array<i32>} : memref<8192xf32, #tpu.memory_space<vmem>>, vector<16xf32>,
      %eq3A_90 = vector.broadcast %max3A : f32 to vector<16xf32>
      %eq3A_91 = arith.cmpf oeq, %get3A_89, %eq3A_90 : vector<16xf32>
      %broadcast_in_dim3A_92 = vector.broadcast %scan3A_21 : i32 to vector<16xi32>
      %select_n3A_93 = arith.select %eq3A_91, %iota3A, %broadcast_in_dim3A_92 : vector<16xi1>, vector<16xi32>
      %reduce_min3A_94 = arith.constant true
      %reduce_min3A_95 = vector.broadcast %reduce_min3A_94 : i1 to vector<16xi1>
      %reduce_min3A_96 = arith.constant -2147483648 : i32
      %reduce_min3A_97 = vector.broadcast %reduce_min3A_96 : i32 to vector<16xi32>
      %reduce_min3A_98 = arith.xori %select_n3A_93, %reduce_min3A_97 : vector<16xi32>
      %reduce_min3A_99 = tpu.scan <min>, %reduce_min3A_98 masked %reduce_min3A_95 : vector<16xi32>, vector<16xi1> -> vector<16xi32>
      %reduce_min3A_100 = arith.xori %reduce_min3A_99, %reduce_min3A_97 : vector<16xi32>
      %reduce_min3A_101 = vector.extract %reduce_min3A_100[15] : i32 from vector<16xi32>
      %mul3A_102 = arith.constant 16 : i32
      %mul3A_103 = arith.muli %add3A_85, %mul3A_102 : i32
      %add3A_104 = arith.addi %mul3A_103, %reduce_min3A_101 : i32
      %mul3A_105 = arith.constant 8192 : i32
      %mul3A_106 = arith.muli %add3A_6, %mul3A_105 : i32
      %add3A_107 = arith.addi %add3A_104, %mul3A_106 : i32
      %broadcast_in_dim3A_108 = vector.broadcast %scan3A_33 : i32 to vector<16xi32>
      %broadcast_in_dim3A_109 = vector.broadcast %add3A_107 : i32 to vector<16xi32>
      tpu.vector_store_idx %arg8[%broadcast_in_dim3A_108], %broadcast_in_dim3A_109 masked %eq3A_2 : memref<128xi32, #tpu.memory_space<vmem>>[vector<16xi32>], vector<16xi32>, vector<16xi1>
      %eq3A_110 = vector.broadcast %reduce_min3A_101 : i32 to vector<16xi32>
      %eq3A_111 = arith.cmpi eq, %iota3A, %eq3A_110 : vector<16xi32>
      %jit3A = arith.constant -3.40282347E+38 : f32
      %broadcast_in_dim3A_112 = vector.broadcast %jit3A : f32 to vector<16xf32>
      %select_n3A_113 = arith.select %eq3A_111, %broadcast_in_dim3A_112, %get3A_89 : vector<16xi1>, vector<16xf32>
      %mul3A_114 = arith.constant 16 : i32
      %mul3A_115 = arith.muli %add3A_85, %mul3A_114 : i32
      %swap3A = arith.index_cast %mul3A_115 : i32 to index
      %swap3A_116 = tpu.vector_load %arg5[%swap3A] {strides = array<i32>} : memref<8192xf32, #tpu.memory_space<vmem>>, vector<16xf32>,
      tpu.vector_store %arg5[%swap3A], %select_n3A_113 {strides = array<i32>} : memref<8192xf32, #tpu.memory_space<vmem>>, vector<16xf32>,
      %reduce_max3A_117 = arith.constant true
      %reduce_max3A_118 = vector.broadcast %reduce_max3A_117 : i1 to vector<16xi1>
      %reduce_max3A_119 = tpu.scan <max>, %select_n3A_113 masked %reduce_max3A_118 : vector<16xf32>, vector<16xi1> -> vector<16xf32>
      %reduce_max3A_120 = vector.extract %reduce_max3A_119[15] : f32 from vector<16xf32>
      %broadcast_in_dim3A_121 = vector.broadcast %add3A_85 : i32 to vector<16xi32>
      %broadcast_in_dim3A_122 = vector.broadcast %reduce_max3A_120 : f32 to vector<16xf32>
      tpu.vector_store_idx %arg6[%broadcast_in_dim3A_121], %broadcast_in_dim3A_122 masked %eq3A_2 : memref<512xf32, #tpu.memory_space<vmem>>[vector<16xi32>], vector<16xf32>, vector<16xi1>
      %eq3A_123 = vector.broadcast %reduce_min3A_82 : i32 to vector<16xi32>
      %eq3A_124 = arith.cmpi eq, %iota3A, %eq3A_123 : vector<16xi32>
      %broadcast_in_dim3A_125 = vector.broadcast %reduce_max3A_120 : f32 to vector<16xf32>
      %select_n3A_126 = arith.select %eq3A_124, %broadcast_in_dim3A_125, %get3A_70 : vector<16xi1>, vector<16xf32>
      %reduce_max3A_127 = arith.constant true
      %reduce_max3A_128 = vector.broadcast %reduce_max3A_127 : i1 to vector<16xi1>
      %reduce_max3A_129 = tpu.scan <max>, %select_n3A_126 masked %reduce_max3A_128 : vector<16xf32>, vector<16xi1> -> vector<16xf32>
      %reduce_max3A_130 = vector.extract %reduce_max3A_129[15] : f32 from vector<16xf32>
      %broadcast_in_dim3A_131 = vector.broadcast %min3A : i32 to vector<16xi32>
      %broadcast_in_dim3A_132 = vector.broadcast %reduce_max3A_130 : f32 to vector<16xf32>
      tpu.vector_store_idx %arg7[%broadcast_in_dim3A_131], %broadcast_in_dim3A_132 masked %eq3A_2 : memref<512xf32, #tpu.memory_space<vmem>>[vector<16xi32>], vector<16xf32>, vector<16xi1>
    }
    %scan3A_26 = arith.constant 128 : i32
    %dma_start3A = arith.constant 0 : i32
    %dma_start3A_27 = arith.constant 0 : i32
    %dma_start3A_28 = tpu.memref_slice %arg3[%dma_start3A, %dma_start3A_27] : memref<262144x8xf32, #tpu.memory_space<hbm>> -> memref<262144x8xf32, #tpu.memory_space<hbm>>
    tpu.enqueue_indirect_dma source(%dma_start3A_28 : memref<262144x8xf32, #tpu.memory_space<hbm>>) target(%arg9 : memref<128x8xf32, #tpu.memory_space<vmem>>) offsets(%arg8 : memref<128xi32, #tpu.memory_space<vmem>>) semaphore(%arg10 : memref<!tpu.dma_semaphore, #tpu.memory_space<semaphore_mem>>)
    %dma_wait3A = arith.constant 0 : i32
    %dma_wait3A_29 = arith.constant 0 : i32
    %dma_wait3A_30 = tpu.memref_slice %arg3[%dma_wait3A, %dma_wait3A_29] : memref<262144x8xf32, #tpu.memory_space<hbm>> -> memref<262144x8xf32, #tpu.memory_space<hbm>>
    tpu.wait_indirect_dma semaphore(%arg10 : memref<!tpu.dma_semaphore, #tpu.memory_space<semaphore_mem>>) src(%dma_wait3A_30 : memref<262144x8xf32, #tpu.memory_space<hbm>>) dst(%arg9 : memref<128x8xf32, #tpu.memory_space<vmem>>)
    %mul3A_31 = arith.constant 128 : i32
    %mul3A_32 = arith.muli %add3A_6, %mul3A_31 : i32
    "tpu.region"() ({
      %run_scoped3A = tpu.sem_alloc : memref<!tpu.dma_semaphore, #tpu.memory_space<semaphore_mem>>
      %dma_start3A_33 = arith.constant 0 : i32
      %dma_start3A_34 = tpu.memref_slice %arg4[%mul3A_32, %dma_start3A_33] : memref<4096x8xf32, #tpu.memory_space<hbm>> -> memref<128x8xf32, #tpu.memory_space<hbm>>
      %dma_start3A_35 = arith.constant 0 : i32
      %dma_start3A_36 = tpu.memref_slice %arg4[%mul3A_32, %dma_start3A_35] : memref<4096x8xf32, #tpu.memory_space<hbm>> -> memref<128x8xf32, #tpu.memory_space<hbm>>
      tpu.enqueue_dma source(%arg9 : memref<128x8xf32, #tpu.memory_space<vmem>>) target(%dma_start3A_36 : memref<128x8xf32, #tpu.memory_space<hbm>>) target_semaphore(%run_scoped3A : memref<!tpu.dma_semaphore, #tpu.memory_space<semaphore_mem>>)
      %dma_wait3A_37 = arith.constant 0 : i32
      %dma_wait3A_38 = tpu.memref_slice %arg4[%mul3A_32, %dma_wait3A_37] : memref<4096x8xf32, #tpu.memory_space<hbm>> -> memref<128x8xf32, #tpu.memory_space<hbm>>
      %dma_wait3A_39 = arith.constant 0 : i32
      %dma_wait3A_40 = tpu.memref_slice %arg4[%mul3A_32, %dma_wait3A_39] : memref<4096x8xf32, #tpu.memory_space<hbm>> -> memref<128x8xf32, #tpu.memory_space<hbm>>
      tpu.wait_dma2 semaphore(%run_scoped3A : memref<!tpu.dma_semaphore, #tpu.memory_space<semaphore_mem>>) src(%arg9 : memref<128x8xf32, #tpu.memory_space<vmem>>) dst(%dma_wait3A_40 : memref<128x8xf32, #tpu.memory_space<hbm>>)
      tpu.yield
    }) : () -> ()
    return
  }
}

module attributes {stable_mosaic.version = 14 : i64} {
  func.func @_mlp_body(%arg0: memref<32x768xf32, #tpu.memory_space<vmem>>, %arg1: memref<768x256xf32, #tpu.memory_space<vmem>>, %arg2: memref<1x256xf32, #tpu.memory_space<vmem>>, %arg3: memref<256x128xf32, #tpu.memory_space<vmem>>, %arg4: memref<1x128xf32, #tpu.memory_space<vmem>>, %arg5: memref<128x64xf32, #tpu.memory_space<vmem>>, %arg6: memref<1x64xf32, #tpu.memory_space<vmem>>, %arg7: memref<64x7xf32, #tpu.memory_space<vmem>>, %arg8: memref<1x7xf32, #tpu.memory_space<vmem>>, %arg9: memref<32x7xf32, #tpu.memory_space<vmem>>) attributes {dimension_semantics = [], scalar_prefetch = 0 : i64, scratch_operands = 0 : i64, tpu.core_type = #tpu.core_type<tc>} {
    %get3A = arith.constant 0 : index
    %get3A_0 = arith.constant 0 : index
    %get3A_1 = vector.load %arg0[%get3A, %get3A_0] : memref<32x768xf32, #tpu.memory_space<vmem>>, vector<32x768xf32>
    %get3A_2 = arith.constant 0 : index
    %get3A_3 = arith.constant 0 : index
    %get3A_4 = vector.load %arg1[%get3A_2, %get3A_3] : memref<768x256xf32, #tpu.memory_space<vmem>>, vector<768x256xf32>
    %convert_element_type3A = arith.truncf %get3A_1 : vector<32x768xf32> to vector<32x768xbf16>
    %convert_element_type3A_5 = arith.truncf %get3A_4 : vector<768x256xf32> to vector<768x256xbf16>
    %dot_general3A = arith.constant dense<0.000000e+00> : vector<32x256xf32>
    %dot_general3A_6 = tpu.matmul %convert_element_type3A, %convert_element_type3A_5, %dot_general3A {dimension_numbers = #tpu.dot_dimension_numbers<[1], [0], [0], [1], [0, 0, 1, 1], [], []>, transpose_lhs_hint = false} : vector<32x768xbf16>, vector<768x256xbf16>, vector<32x256xf32> -> vector<32x256xf32>
    %get3A_7 = arith.constant 0 : index
    %get3A_8 = arith.constant 0 : index
    %get3A_9 = vector.load %arg2[%get3A_7, %get3A_8] : memref<1x256xf32, #tpu.memory_space<vmem>>, vector<1x256xf32>
    %add3A = vector.broadcast %get3A_9 : vector<1x256xf32> to vector<32x256xf32>
    %add3A_10 = arith.addf %dot_general3A_6, %add3A : vector<32x256xf32>
    %max3A = arith.constant 0.000000e+00 : f32
    %max3A_11 = vector.broadcast %max3A : f32 to vector<32x256xf32>
    %max3A_12 = arith.maximumf %add3A_10, %max3A_11 : vector<32x256xf32>
    %get3A_13 = arith.constant 0 : index
    %get3A_14 = arith.constant 0 : index
    %get3A_15 = vector.load %arg3[%get3A_13, %get3A_14] : memref<256x128xf32, #tpu.memory_space<vmem>>, vector<256x128xf32>
    %convert_element_type3A_16 = arith.truncf %max3A_12 : vector<32x256xf32> to vector<32x256xbf16>
    %convert_element_type3A_17 = arith.truncf %get3A_15 : vector<256x128xf32> to vector<256x128xbf16>
    %dot_general3A_18 = arith.constant dense<0.000000e+00> : vector<32x128xf32>
    %dot_general3A_19 = tpu.matmul %convert_element_type3A_16, %convert_element_type3A_17, %dot_general3A_18 {dimension_numbers = #tpu.dot_dimension_numbers<[1], [0], [0], [1], [0, 0, 1, 1], [], []>, transpose_lhs_hint = false} : vector<32x256xbf16>, vector<256x128xbf16>, vector<32x128xf32> -> vector<32x128xf32>
    %get3A_20 = arith.constant 0 : index
    %get3A_21 = arith.constant 0 : index
    %get3A_22 = vector.load %arg4[%get3A_20, %get3A_21] : memref<1x128xf32, #tpu.memory_space<vmem>>, vector<1x128xf32>
    %add3A_23 = vector.broadcast %get3A_22 : vector<1x128xf32> to vector<32x128xf32>
    %add3A_24 = arith.addf %dot_general3A_19, %add3A_23 : vector<32x128xf32>
    %max3A_25 = arith.constant 0.000000e+00 : f32
    %max3A_26 = vector.broadcast %max3A_25 : f32 to vector<32x128xf32>
    %max3A_27 = arith.maximumf %add3A_24, %max3A_26 : vector<32x128xf32>
    %get3A_28 = arith.constant 0 : index
    %get3A_29 = arith.constant 0 : index
    %get3A_30 = vector.load %arg5[%get3A_28, %get3A_29] : memref<128x64xf32, #tpu.memory_space<vmem>>, vector<128x64xf32>
    %convert_element_type3A_31 = arith.truncf %max3A_27 : vector<32x128xf32> to vector<32x128xbf16>
    %convert_element_type3A_32 = arith.truncf %get3A_30 : vector<128x64xf32> to vector<128x64xbf16>
    %dot_general3A_33 = arith.constant dense<0.000000e+00> : vector<32x64xf32>
    %dot_general3A_34 = tpu.matmul %convert_element_type3A_31, %convert_element_type3A_32, %dot_general3A_33 {dimension_numbers = #tpu.dot_dimension_numbers<[1], [0], [0], [1], [0, 0, 1, 1], [], []>, transpose_lhs_hint = false} : vector<32x128xbf16>, vector<128x64xbf16>, vector<32x64xf32> -> vector<32x64xf32>
    %get3A_35 = arith.constant 0 : index
    %get3A_36 = arith.constant 0 : index
    %get3A_37 = vector.load %arg6[%get3A_35, %get3A_36] : memref<1x64xf32, #tpu.memory_space<vmem>>, vector<1x64xf32>
    %add3A_38 = vector.broadcast %get3A_37 : vector<1x64xf32> to vector<32x64xf32>
    %add3A_39 = arith.addf %dot_general3A_34, %add3A_38 : vector<32x64xf32>
    %max3A_40 = arith.constant 0.000000e+00 : f32
    %max3A_41 = vector.broadcast %max3A_40 : f32 to vector<32x64xf32>
    %max3A_42 = arith.maximumf %add3A_39, %max3A_41 : vector<32x64xf32>
    %get3A_43 = arith.constant 0 : index
    %get3A_44 = arith.constant 0 : index
    %get3A_45 = vector.load %arg7[%get3A_43, %get3A_44] : memref<64x7xf32, #tpu.memory_space<vmem>>, vector<64x7xf32>
    %convert_element_type3A_46 = arith.truncf %max3A_42 : vector<32x64xf32> to vector<32x64xbf16>
    %convert_element_type3A_47 = arith.truncf %get3A_45 : vector<64x7xf32> to vector<64x7xbf16>
    %dot_general3A_48 = arith.constant dense<0.000000e+00> : vector<32x7xf32>
    %dot_general3A_49 = tpu.matmul %convert_element_type3A_46, %convert_element_type3A_47, %dot_general3A_48 {dimension_numbers = #tpu.dot_dimension_numbers<[1], [0], [0], [1], [0, 0, 1, 1], [], []>, transpose_lhs_hint = false} : vector<32x64xbf16>, vector<64x7xbf16>, vector<32x7xf32> -> vector<32x7xf32>
    %get3A_50 = arith.constant 0 : index
    %get3A_51 = arith.constant 0 : index
    %get3A_52 = vector.load %arg8[%get3A_50, %get3A_51] : memref<1x7xf32, #tpu.memory_space<vmem>>, vector<1x7xf32>
    %add3A_53 = vector.broadcast %get3A_52 : vector<1x7xf32> to vector<32x7xf32>
    %add3A_54 = arith.addf %dot_general3A_49, %add3A_53 : vector<32x7xf32>
    %swap3A = arith.constant 0 : index
    %swap3A_55 = arith.constant 0 : index
    %swap3A_56 = vector.load %arg9[%swap3A, %swap3A_55] : memref<32x7xf32, #tpu.memory_space<vmem>>, vector<32x7xf32>
    tpu.vector_store %arg9[%swap3A, %swap3A_55], %add3A_54 {strides = array<i32>} : memref<32x7xf32, #tpu.memory_space<vmem>>, vector<32x7xf32>,
    return
  }
}

</mosaic_0001>

<sc_bundles>
// kernel: kernel.4.cloned.1.call-start
scs
__scs_entry_jumppad:
0x0: {  	(pc) =	sbr.rel $0x88, $3  }
0x1: {  	(tag) =	ssettag $0x0;
	lr =	simm.s32 $0x1  }
0x2: {  	[smem:$0x3F94] =	sst lr;
	_ =	strace $0xD0000000  }
0x3: {  	_ = 	snop  }
0x4: {  	_ = 	snop  }
0x5: {  	_ = 	snop  }
0x6: {  	_ = 	snop  }
0x7: {  	_ = 	snop  }
__scs_overlays_trampoline_lowered:
0x8: {  	[smem:$0x3FA3] =	sst s0  }
0x9: {  	[smem:$0x3FA4] =	sst s1  }
0xa: {  	[smem:$0x3FA5] =	sst s2  }
0xb: {  	[smem:$0x3FA6] =	sst s3  }
0xc: {  	[smem:$0x3FA7] =	sst s4  }
0xd: {  	[smem:$0x3FA8] =	sst s5  }
0xe: {  	[smem:$0x3FA9] =	sst s6  }
0xf: {  	[smem:$0x3FAA] =	sst s7  }
0x10: {  	[smem:$0x3FAB] =	sst s8  }
0x11: {  	[smem:$0x3FAC] =	sst s9;
	s0 =	simm.s32 @!p0 $0x0  }
0x12: {  	s1 =	sld [smem:$0x3F92];
	s0 =	simm.s32 @p0 $0x1  }
0x13: {  	[smem:$0x3FAD] =	sst s0;
	s0 =	simm.s32 @!p1 $0x0  }
0x14: {  	s2 =	sld [smem:$0x3F91];
	s0 =	simm.s32 @p1 $0x1  }
0x15: {  	[smem:$0x3FAE] =	sst s0;
	s0 =	simm.s32 @!p2 $0x0  }
0x16: {  	s3 =	sld [smem:$0x3FDB];
	s0 =	simm.s32 @p2 $0x1  }
0x17: {  	s4 =	simm.s32 $0x1BF5;
	[smem:$0x3FB0] =	sst s0  }
0x18: {  	s0 =	sld [smem:$0x3F93];
	_ =	swait.ge [sflag:s4], $0x0  }
0x19: {  	s7 =	sld [smem:$0x3F94]  }
0x1a: {  	s8 =	sadd.s32 $0xFFFFE003, lr  }
0x1b: {  	s9 =	sadd.s32 $0xFFFFFEF7, lr;
	s5 =	simm.s32 $0xFFFFFFFF;
	p2 =	slt.u32 s8, $0xFFFFF086  }
0x1c: {  	p1 =	slt.u32 s9, $0xF7A;
	s5 =	simm.s32 @!p2 $0x0  }
0x1d: {  	s5 =	simm.s32 @p1 $0x1;
	p0 =	seq.s32 s7, s2  }
0x1e: {  	s7 =	smul.u32 @!p0 $0xF7A, s2;
	p2 =	seq.s32 @!p0 s5, $0x0  }
0x1f: {  	s9 =	smul.u32 $0xF7A, s1;
	s8 =	simm.s32 @!p0 $0x1BF5;
	p2 =	por !p2, p0  }
0x20: {  	[sflag:s8] =	ssyncset.s32 @!p0 $0xFFFFF086;
	s6 =	sadd.s32 @!p0 s3, s7;
	s7 =	simm.s32 @!p0 $0x108  }
0x21: {  	s3 =	sadd.s32 s3, s9;
	s6 =	sadd.s32 @!p0 $0x88, s6;
	s7 =	simm.s32 @p2 $0x1082  }
0x22: {  	[simem:s7], [sflag:s8] =	dma.local @!p0 [hbm:s6], $0xF7A  }
0x23: {  	s9 =	sor.u32 $0xD0000000, s2;
	s6 =	simm.s32 $0x108;
	_ =	swait.ge @!p0 [sflag:s8], $0x0  }
0x24: {  	s3 =	sadd.s32 $0x88, s3;
	s6 =	simm.s32 @!p1 $0x1082;
	[sflag:s4] =	ssyncset.s32 $0xFFFFF086  }
0x25: {  	[simem:s6], [sflag:s4] =	dma.local [hbm:s3], $0xF7A  }
0x26: {  	[smem:$0x3F94] =	sst s1;
	(tag) =	ssettag s2;
	_ =	strace s9  }
0x27: {  	s1 =	sld [smem:$0x3FA4]  }
0x28: {  	s2 =	sld [smem:$0x3FA5]  }
0x29: {  	s4 =	sld [smem:$0x3FA7]  }
0x2a: {  	p0 =	seq.s32 s5, $0x0;
	s5 =	sld [smem:$0x3FA8]  }
0x2b: {  	s6 =	sld [smem:$0x3FA9]  }
0x2c: {  	s7 =	sld [smem:$0x3FAA]  }
0x2d: {  	s3 =	simm.s32 $0x108;
	s8 =	sld [smem:$0x3FAB]  }
0x2e: {  	s3 =	simm.s32 @!p0 $0x1082;
	s9 =	sld [smem:$0x3FAC]  }
0x2f: {  	lr =	sadd.s32 s0, s3;
	s0 =	sld [smem:$0x3FA3]  }
0x30: {  	s3 =	sld [smem:$0x3FA6]  }
0x31: {  	[smem:$0x3FAF] =	sst s10  }
0x32: {  	s10 =	sld [smem:$0x3FAD];
	_ =	sdelay $0x3  }
0x33: {  	p0 =	seq.s32 s10, $0x1;
	s10 =	sld [smem:$0x3FAF];
	_ =	sdelay $0x3  }
0x34: {  	[smem:$0x3FAF] =	sst s10  }
0x35: {  	s10 =	sld [smem:$0x3FAE];
	_ =	sdelay $0x3  }
0x36: {  	p1 =	seq.s32 s10, $0x1;
	s10 =	sld [smem:$0x3FAF];
	_ =	sdelay $0x3  }
0x37: {  	[smem:$0x3FAF] =	sst s10  }
0x38: {  	s10 =	sld [smem:$0x3FB0]  }
0x39: {  	_ = 	snop;
	(pc) =	sbr.ind lr, $3  }
0x3a: {  	_ = 	snop  }
0x3b: {  	_ = 	snop  }
0x3c: {  	p2 =	seq.s32 s10, $0x1;
	s10 =	sld [smem:$0x3FAF]  }
0x3d: {  	_ =	shalt  }
0x3e: {  	_ =	shalt  }
0x3f: {  	_ =	shalt  }
0x40: {  	_ =	shalt  }
0x41: {  	_ =	shalt  }
0x42: {  	_ =	shalt  }
0x43: {  	_ =	shalt  }
0x44: {  	_ =	shalt  }
0x45: {  	_ =	shalt  }
0x46: {  	_ =	shalt  }
0x47: {  	_ =	shalt  }
0x48: {  	_ =	shalt  }
0x49: {  	_ =	shalt  }
0x4a: {  	_ =	shalt  }
0x4b: {  	_ =	shalt  }
0x4c: {  	_ =	shalt  }
0x4d: {  	_ =	shalt  }
0x4e: {  	_ =	shalt  }
0x4f: {  	_ =	shalt  }
0x50: {  	_ =	shalt  }
0x51: {  	_ =	shalt  }
0x52: {  	_ =	shalt  }
0x53: {  	_ =	shalt  }
0x54: {  	_ =	shalt  }
0x55: {  	_ =	shalt  }
0x56: {  	_ =	shalt  }
0x57: {  	_ =	shalt  }
0x58: {  	_ =	shalt  }
0x59: {  	_ =	shalt  }
0x5a: {  	_ =	shalt  }
0x5b: {  	_ =	shalt  }
0x5c: {  	_ =	shalt  }
0x5d: {  	_ =	shalt  }
0x5e: {  	_ =	shalt  }
0x5f: {  	_ =	shalt  }
0x60: {  	_ =	shalt  }
0x61: {  	_ =	shalt  }
0x62: {  	_ =	shalt  }
0x63: {  	_ =	shalt  }
0x64: {  	_ =	shalt  }
0x65: {  	_ =	shalt  }
0x66: {  	_ =	shalt  }
0x67: {  	_ =	shalt  }
0x68: {  	_ =	shalt  }
0x69: {  	_ =	shalt  }
0x6a: {  	_ =	shalt  }
0x6b: {  	_ =	shalt  }
0x6c: {  	_ =	shalt  }
0x6d: {  	_ =	shalt  }
0x6e: {  	_ =	shalt  }
0x6f: {  	_ =	shalt  }
0x70: {  	_ =	shalt  }
0x71: {  	_ =	shalt  }
0x72: {  	_ =	shalt  }
0x73: {  	_ =	shalt  }
0x74: {  	_ =	shalt  }
0x75: {  	_ =	shalt  }
0x76: {  	_ =	shalt  }
0x77: {  	_ =	shalt  }
0x78: {  	_ =	shalt  }
0x79: {  	_ =	shalt  }
0x7a: {  	_ =	shalt  }
0x7b: {  	_ =	shalt  }
0x7c: {  	_ =	shalt  }
0x7d: {  	_ =	shalt  }
0x7e: {  	_ =	shalt  }
0x7f: {  	_ =	shalt  }
0x80: {  	_ =	shalt  }
0x81: {  	_ =	shalt  }
0x82: {  	_ =	shalt  }
0x83: {  	_ =	shalt  }
0x84: {  	_ =	shalt  }
0x85: {  	_ =	shalt  }
0x86: {  	_ =	shalt  }
0x87: {  	_ =	shalt  }
.Lfunc_end0:
.L_simem_size_0:
called_computation_lowered:
.L_overlay_start_0:
0x88: {  	s2 =	sld [smem:$0x3FD9]  }
0x89: {  	s3 =	sld [smem:$0x3FFE];
	_ =	sdelay $0x1  }
0x8a: {  	s1 =	srdreg.scid  }
0x8b: {  	s0 =	sand.u32 $0x1, s1  }
0x8c: {  	s15 =	sshll.u32 s0, $0xA;
	s2 =	sadd.s32 s3, s2  }
0x8d: {  	s2 =	sadd.s32 s2, s15  }
0x8e: {  	[smem:$0x3FBB] =	sst s2  }
0x8f: {  	_ = 	snop  }
0x90: {  	s2 =	sld [smem:$0x3FD0];
	_ =	sdelay $0x2  }
0x91: {  	s16 =	simm.s32 $0xA;
	s4 =	simm.s32 $0x10  }
0x92: {  	[smem:s4], [sflag:s16] =	dma.local [hbm:s2], $0x1  }
0x93: {  	_ =	swait.eq [sflag:s16], $0x1  }
0x94: {  	s17 =	sld [smem:$0x14];
	[sflag:s16] =	ssyncset.done $0x0  }
0x95: {  	s18 =	sld [smem:$0x15];
	[sflag:s16] =	ssyncadd.s32 $0xFFFFFFFF  }
0x96: {  	s19 =	sld [smem:$0x16];
	(tm) =	ssettm $0x1  }
0x97: {  	s5 =	sld [smem:$0x3FFB];
	_ =	sdelay $0x3  }
0x98: {  	_ =	strace s5  }
0x99: {  	s5 =	sld [smem:$0x3FFC];
	_ =	sdelay $0x3  }
0x9a: {  	_ =	strace s5  }
0x9b: {  	s5 =	sld [smem:$0x3FFD];
	_ =	sdelay $0x3  }
0x9c: {  	_ =	strace s5  }
0x9d: {  	_ =	strace $0x8FFFFFFF  }
0x9e: {  	s20 =	sld [smem:$0x3FDB];
	_ =	sdelay $0x1  }
0x9f: {  	s6 =	simm.s32 $_scs_section_size  }
0xa0: {  	s7 =	simm.s32 $_size__tile_overlayer_lowered;
	s8 =	simm.s32 $_tile_overlayer_lowered  }
0xa1: {  	s23 =	simm.s32 $0x1BFF;
	s22 =	sshll.u32 s8, $0x1;
	s5 =	sadd.s32 s6, s20  }
0xa2: {  	s9 =	simm.s32 $0x0;
	s21 =	sshll.u32 s7, $0x1;
	s7 =	sadd.s32 s22, s5  }
0xa3: {  	[timem:s9], [sflag:s23] =	dma.local [hbm:s7], s21  }
0xa4: {  	_ =	swait.ge [sflag:s23], s21  }
0xa5: {  	s6 =	ssub.s32 $0x0, s21;
	[sflag:s23] =	ssyncset.done $0x0  }
0xa6: {  	[sflag:s23] =	ssyncadd.s32 s6;
	_ =	sdelay $0x1  }
0xa7: {  	s24 =	simm.s32 $0x1B8B  }
0xa8: {  	_ =	swait.ge [sflag:s24], $0x1  }
0xa9: {  	[sflag:s24] =	ssyncset.done $0x0  }
0xaa: {  	s25 =	simm.s32 $0x1B8E;
	[sflag:s24] =	ssyncadd.s32 $0xFFFFFFFF  }
0xab: {  	s26 =	simm.s32 $execute0_lowered;
	[smem:$0x3FD2] =	sst s25  }
0xac: {  	s6 =	sshll.u32 s26, $0x1;
	_ =	strace $0x80000046;
	[dreg:$0x1] =	wrdreg $0xFFFFFFFF  }
0xad: {  	s28 =	simm.s32 $_size_execute0_lowered;
	s5 =	sadd.s32 s5, s6;
	[dreg:$0x0] =	wrdreg $0x0  }
0xae: {  	s6 =	sshll.u32 s28, $0x1;
	[dreg:$0x2] =	wrdreg s5  }
0xaf: {  	[dreg:$0x3] =	wrdreg s6  }
0xb0: {  	[dreg:$0x4] =	wrdreg $0xC0  }
0xb1: {  	_ =	task [dreg:s9], $0x5FFFF  }
0xb2: {  	[dreg:$0x1] =	wrdreg $0xFFFFFFFF  }
0xb3: {  	[dreg:$0x0] =	wrdreg $0x60  }
0xb4: {  	[dreg:$0x2] =	wrdreg s19  }
0xb5: {  	[dreg:$0x3] =	wrdreg s17  }
0xb6: {  	[dreg:$0x4] =	wrdreg s18  }
0xb7: {  	[dreg:$0x5] =	wrdreg $0x9  }
0xb8: {  	_ =	task.clear_ibuf [dreg:s9], $0x6FFFF;
	_ =	strace $0x90000046  }
0xb9: {  	s29 =	simm.s32 $0x9;
	_ =	strace $0x80000048  }
0xba: {  	_ =	swait.ge [sflag:s29], $0x1  }
0xbb: {  	[sflag:s29] =	ssyncadd.s32 $0xFFFFFFFF  }
0xbc: {  	_ =	strace $0x90000048  }
0xbd: {  	_ =	sfence  }
0xbe: {  	s30 =	sld [smem:$0x0];
	_ =	sdelay $0x2  }
0xbf: {  	s31 =	sshll.u32 s1, $0xD;
	s1 =	sshrl.u32 s1, $0x2  }
0xc0: {  	s3 =	sand.u32 $0x4000, s31;
	s1 =	sadd.s32 s1, s30  }
0xc1: {  	s0 =	sor.u32 s3, s0;
	s1 =	sshll.u32 s1, $0x11  }
0xc2: {  	s0 =	sor.u32 s1, s0  }
0xc3: {  	s0 =	sadd.s32 $0x8F2B, s0  }
0xc4: {  	[sflag:s0] =	ssyncadd.remote.s32 $0x1  }
0xc5: {  	_ =	sfence.sel $0xFFFF  }
0xc6: {  	[dreg:$0x0] =	wrdreg $0xFFFFFFFF;
	(pc) =	sbr.abs _section_cstart, $3  }
0xc7: {  	[dreg:$0x1] =	wrdreg $0xFFFFFFFF  }
0xc8: {  	_ =	task.clear_ibuf [dreg:s9], $0x2FFFF;
	_ =	strace $0x9FFFFFFF  }
0xc9: {  	(tm) =	ssettm $0x7FFFFFFF  }
tec
execute0_lowered:
.L_overlay_start_1:
0x0: {  	(tag) =	ssettag $0x1  }
0x1: {  	s5 =	rddreg [dreg:$0x0]  }
0x2: {  	s1 =	rddreg [dreg:$0x1]  }
0x3: {  	s6 =	rddreg [dreg:$0x2]  }
0x4: {  	s0 =	rddreg [dreg:$0x3];
	s4 =	srdreg.scid  }
0x5: {  	s3 =	simm.s32 $0x0;
	s2 =	stileid.u32;
	s10 =	simm.s32 $0x2400  }
0x6: {  	s11 =	simm.s32 $0x2000;
	s12 =	simm.s32 $0x80;
	s13 =	simm.s32 $0x2480  }
0x7: {  	s14 =	simm.s32 $0x1;
	s15 =	simm.s32 $0x0;
	s4 =	sand.u32 $0x1, s4  }
0x8: {  	[smem:$0x7FF] =	sst s3;
	s8 =	sshll.u32 s2, $0x1;
	s7 =	ssub.s32 $0x2, s4  }
0x9: {  	_ =	strace $0x80000047;
	s4 =	sor.u32 s4, s8;
	s9 =	sshrl.u32 s7, $0x1  }
0xa: {  	s8 =	sshll.u32 s4, $0xA;
	s31 =	sshll.u32 s4, $0x7;
	s4 =	sshll.u32 s4, $0xD  }
0xb: {  	v0 =	vlaneseq.u32;
	s7 =	ssub.s32 s7, s9;
	s5 =	sadd.s32 s5, s8;
	s6 =	sadd.s32 s6, s31  }
0xc: {  	v1 =	vor.u32 $0x80000000, v0;
	s8 =	simm.s32 $0x2;
	s9 =	simm.s32 $0x2200;
	s7 =	smax.u32 s7, $0x1  }
.LBB2_1:
0xd: {  	[tilespmem:s3], [sflag:$0x2] =	stream.linear.gather [hbm4b:s5+s3], $0x2000, $0x38;
	[tilespmem:$0x2880] =	vst v63  }
0xe: {  	_ =	swait.ge [sflag:s8], $0x2000  }
0xf: {  	[sflag:s8] =	ssyncset.done $0x0  }
0x10: {  	[sflag:s8] =	ssyncadd.s32 $0xFFFFE000  }
0x11: {  	s18 =	simm.s32 $0x1;
	s16 =	simm.s32 $0x0;
	s19 =	simm.s32 $0x0;
	v2 =	vld [tilespmem:s3+$0x0]  }
.LBB2_2:
0x12: {  	p0 =	sne.s32 s18, $0x1FF;
	_ =	sdelay $0x3  }
0x13: {  	(xrf0) =	vmax.scan.msk.f32 $0xffff, v2;
	_ =	sdelay $0x3  }
0x14: {  	v2 =	vmov s16;
	s16 =	smov.u32 s18;
	_ =	sdelay $0x1  }
.Ltmp0:
0x15: {  	v3, _, _ =	vpop (xrf0);
	(pc) =	sbr.rel @p0 .LBB2_2-.Ltmp0, $4  }
0x16: {  	v3 =	vbroadcast v3, $0xF  }
0x17: {  	s17 =	simm.s32 $0x2000  }
0x18: {  	s19 =	sadd.s32 $0x10, s19;
	[tilespmem:v2+s17+$0x0] =	vst.idx.msk $0x1, v3  }
0x19: {  	s18 =	sadd.s32 $0x1, s18;
	v2 =	vld [tilespmem:s19+$0x0]  }
0x1a: {  	_ =	sdelay $0x3  }
0x1b: {  	(xrf0) =	vmax.scan.msk.f32 $0xffff, v2;
	_ =	sdelay $0x3  }
0x1c: {  	v2 =	vmov s16;
	_ =	sdelay $0x1  }
0x1d: {  	v3, _, _ =	vpop (xrf0)  }
0x1e: {  	v3 =	vbroadcast v3, $0xF;
	_ =	sdelay $0x1  }
0x1f: {  	[tilespmem:v2+s17+$0x0] =	vst.idx.msk $0x1, v3  }
0x20: {  	s19 =	simm.s32 $0x1;
	s18 =	simm.s32 $0x0;
	s16 =	simm.s32 $0x0;
	v2 =	vld [tilespmem:s17+$0x0]  }
.LBB2_4:
0x21: {  	p0 =	sne.s32 s19, $0x1F;
	_ =	sdelay $0x3  }
0x22: {  	(xrf0) =	vmax.scan.msk.f32 $0xffff, v2;
	_ =	sdelay $0x3  }
0x23: {  	v2 =	vmov s18;
	s18 =	smov.u32 s19;
	_ =	sdelay $0x1  }
.Ltmp1:
0x24: {  	v3, _, _ =	vpop (xrf0);
	(pc) =	sbr.rel @p0 .LBB2_4-.Ltmp1, $3  }
0x25: {  	v3 =	vbroadcast v3, $0xF;
	_ =	sdelay $0x1  }
0x26: {  	s17 =	sadd.s32 $0x10, s17;
	[tilespmem:v2+s9+$0x0] =	vst.idx.msk $0x1, v3  }
0x27: {  	s19 =	sadd.s32 $0x1, s19;
	v2 =	vld [tilespmem:s17+$0x0]  }
0x28: {  	_ =	sdelay $0x3  }
0x29: {  	(xrf0) =	vmax.scan.msk.f32 $0xffff, v2;
	_ =	sdelay $0x3  }
0x2a: {  	v2 =	vmov s18;
	_ =	sdelay $0x1  }
0x2b: {  	v3, _, _ =	vpop (xrf0)  }
0x2c: {  	v3 =	vbroadcast v3, $0xF;
	_ =	sdelay $0x1  }
0x2d: {  	[tilespmem:v2+s9+$0x0] =	vst.idx.msk $0x1, v3  }
0x2e: {  	v2 =	vld [tilespmem:$0x2200]  }
0x2f: {  	v3 =	vld [tilespmem:$0x2210];
	_ =	sdelay $0x3  }
0x30: {  	(xrf0) =	vmax.scan.msk.f32 $0xffff, v2  }
0x31: {  	(xrf0) =	vmax.scan.msk.f32 $0xffff, v3;
	_ =	sdelay $0x4  }
0x32: {  	v4, _, _ =	vpop (xrf0)  }
0x33: {  	(v2sf) =	vpush v4, $0xF;
	v4, _, _ =	vpop (xrf0)  }
0x34: {  	(v2sf) =	vpush v4, $0xF;
	_ =	sdelay $0xd  }
0x35: {  	s17 =	spop (v2sf)  }
0x36: {  	s28 =	spop (v2sf)  }
0x37: {  	s17 =	smax.f32 s17, s28  }
0x38: {  	vm0 =	veq.f32 v2, s17  }
0x39: {  	vm1 =	veq.f32 v3, s17;
	v2 =	vnsel vm0, $0x8000270F, v1  }
0x3a: {  	v3 =	vnsel vm1, $0x8000270F, v1;
	(xrf0) =	vmin.scan.msk.u32 $0xffff, v2  }
0x3b: {  	(xrf0) =	vmin.scan.msk.u32 $0xffff, v3;
	_ =	sdelay $0x4  }
0x3c: {  	v2, _, _ =	vpop (xrf0)  }
0x3d: {  	(v2sf) =	vpush v2, $0xF;
	v2, _, _ =	vpop (xrf0)  }
0x3e: {  	(v2sf) =	vpush v2, $0xF;
	_ =	sdelay $0xd  }
0x3f: {  	s29 =	spop (v2sf)  }
0x40: {  	s19 =	spop (v2sf)  }
0x41: {  	s18 =	sxor.u32 $0x80000000, s29;
	s19 =	sadd.s32 $0x80000010, s19  }
0x42: {  	p0 =	slt.s32 s18, s19  }
0x43: {  	s19 =	smov.u32 @p0 s18  }
0x44: {  	s18 =	sshll.u32 s19, $0x4  }
0x45: {  	v2 =	vld [tilespmem:s18+$0x2000];
	_ =	sdelay $0x4  }
0x46: {  	vm12 =	veq.f32 v2, s17  }
0x47: {  	v3 =	vnsel vm12, $0x8000270F, v1  }
0x48: {  	(xrf0) =	vmin.scan.msk.u32 $0xffff, v3;
	_ =	sdelay $0x5  }
0x49: {  	v3, _, _ =	vpop (xrf0)  }
0x4a: {  	(v2sf) =	vpush v3, $0xF;
	_ =	sdelay $0xe  }
0x4b: {  	s20 =	spop (v2sf)  }
0x4c: {  	s20 =	sxor.u32 $0x80000000, s20  }
0x4d: {  	s18 =	sadd.s32 s20, s18  }
0x4e: {  	s21 =	sshll.u32 s18, $0x4  }
0x4f: {  	v3 =	vld [tilespmem:s21+$0x0];
	_ =	sdelay $0x4  }
0x50: {  	vm13 =	veq.f32 v3, s17  }
0x51: {  	v4 =	vnsel vm13, $0x8000270F, v1  }
0x52: {  	(xrf0) =	vmin.scan.msk.u32 $0xffff, v4;
	_ =	sdelay $0x5  }
0x53: {  	v4, _, _ =	vpop (xrf0)  }
0x54: {  	(v2sf) =	vpush v4, $0xF;
	_ =	sdelay $0xe  }
0x55: {  	s30 =	spop (v2sf)  }
0x56: {  	s17 =	sxor.u32 $0x80000000, s30  }
0x57: {  	v4 =	vmov s17  }
0x58: {  	vm14 =	veq.s32 v4, v0  }
0x59: {  	v3 =	vsel vm14, $0xFF7FFFFF, v3  }
0x5a: {  	(xrf0) =	vmax.scan.msk.f32 $0xffff, v3;
	_ =	sdelay $0x5  }
0x5b: {  	v4, _, _ =	vpop (xrf0)  }
0x5c: {  	v5 =	vmov s20;
	v4 =	vbroadcast v4, $0xF  }
0x5d: {  	vm15 =	veq.s32 v5, v0;
	v5 =	vmov s16  }
0x5e: {  	v2 =	vsel vm15, v4, v2  }
0x5f: {  	s31 =	sadd.s32 s4, s17;
	(xrf0) =	vmax.scan.msk.f32 $0xffff, v2;
	v2 =	vmov s18  }
0x60: {  	s16 =	sadd.s32 s21, s31  }
0x61: {  	v6 =	vmov s16  }
0x62: {  	[tilespmem:v5+s10+$0x0] =	vst.idx.msk $0x1, v6  }
0x63: {  	[tilespmem:s21+$0x0] =	vst v3  }
0x64: {  	[tilespmem:v2+s11+$0x0] =	vst.idx.msk $0x1, v4;
	v2 =	vmov s19;
	_ =	sdelay $0x1  }
0x65: {  	v3, _, _ =	vpop (xrf0)  }
0x66: {  	s16 =	simm.s32 $0x1;
	v3 =	vbroadcast v3, $0xF  }
.LBB2_6:
0x67: {  	p0 =	sne.s32 s16, $0x7F;
	s17 =	smov.u32 s16;
	s16 =	sadd.s32 $0x1, s16  }
0x68: {  	[tilespmem:v2+s9+$0x0] =	vst.idx.msk $0x1, v3  }
0x69: {  	v2 =	vld [tilespmem:$0x2200]  }
0x6a: {  	v3 =	vld [tilespmem:$0x2210];
	_ =	sdelay $0x3  }
0x6b: {  	(xrf0) =	vmax.scan.msk.f32 $0xffff, v2  }
0x6c: {  	(xrf0) =	vmax.scan.msk.f32 $0xffff, v3;
	_ =	sdelay $0x4  }
0x6d: {  	v4, _, _ =	vpop (xrf0)  }
0x6e: {  	(v2sf) =	vpush v4, $0xF;
	v4, _, _ =	vpop (xrf0)  }
0x6f: {  	(v2sf) =	vpush v4, $0xF;
	_ =	sdelay $0xd  }
0x70: {  	s18 =	spop (v2sf)  }
0x71: {  	s19 =	spop (v2sf)  }
0x72: {  	s19 =	smax.f32 s18, s19  }
0x73: {  	vm0 =	veq.f32 v2, s19;
	vm1 =	veq.f32 v3, s19  }
0x74: {  	v2 =	vnsel vm0, $0x8000270F, v1;
	v3 =	vnsel vm1, $0x8000270F, v1  }
0x75: {  	(xrf0) =	vmin.scan.msk.u32 $0xffff, v2  }
0x76: {  	(xrf0) =	vmin.scan.msk.u32 $0xffff, v3;
	_ =	sdelay $0x4  }
0x77: {  	v2, _, _ =	vpop (xrf0)  }
0x78: {  	(v2sf) =	vpush v2, $0xF;
	v2, _, _ =	vpop (xrf0)  }
0x79: {  	(v2sf) =	vpush v2, $0xF;
	_ =	sdelay $0xd  }
0x7a: {  	s18 =	spop (v2sf)  }
0x7b: {  	s20 =	sxor.u32 $0x80000000, s18;
	s18 =	spop (v2sf)  }
0x7c: {  	s18 =	sadd.s32 $0x80000010, s18  }
0x7d: {  	p1 =	slt.s32 s20, s18  }
0x7e: {  	s18 =	smov.u32 @p1 s20  }
0x7f: {  	s20 =	sshll.u32 s18, $0x4  }
0x80: {  	v2 =	vld [tilespmem:s20+$0x2000];
	_ =	sdelay $0x4  }
0x81: {  	vm0 =	veq.f32 v2, s19  }
0x82: {  	v3 =	vnsel vm0, $0x8000270F, v1  }
0x83: {  	(xrf0) =	vmin.scan.msk.u32 $0xffff, v3;
	_ =	sdelay $0x5  }
0x84: {  	v3, _, _ =	vpop (xrf0)  }
0x85: {  	(v2sf) =	vpush v3, $0xF;
	_ =	sdelay $0xe  }
0x86: {  	s21 =	spop (v2sf)  }
0x87: {  	s21 =	sxor.u32 $0x80000000, s21  }
0x88: {  	s20 =	sadd.s32 s21, s20;
	v3 =	vmov s21  }
0x89: {  	s21 =	sshll.u32 s20, $0x4  }
0x8a: {  	v4 =	vld [tilespmem:s21+$0x0];
	_ =	sdelay $0x4  }
0x8b: {  	vm0 =	veq.f32 v4, s19  }
0x8c: {  	v5 =	vnsel vm0, $0x8000270F, v1  }
0x8d: {  	(xrf0) =	vmin.scan.msk.u32 $0xffff, v5;
	_ =	sdelay $0x5  }
0x8e: {  	v5, _, _ =	vpop (xrf0)  }
0x8f: {  	(v2sf) =	vpush v5, $0xF;
	_ =	sdelay $0xe  }
0x90: {  	v5 =	vmov s17;
	s17 =	spop (v2sf)  }
0x91: {  	s17 =	sxor.u32 $0x80000000, s17  }
0x92: {  	s19 =	sadd.s32 s4, s17;
	v6 =	vmov s17  }
0x93: {  	s17 =	sadd.s32 s21, s19;
	vm0 =	veq.s32 v6, v0  }
0x94: {  	v6 =	vmov s17;
	v4 =	vsel vm0, $0xFF7FFFFF, v4  }
0x95: {  	[tilespmem:v5+s10+$0x0] =	vst.idx.msk $0x1, v6;
	(xrf0) =	vmax.scan.msk.f32 $0xffff, v4  }
0x96: {  	[tilespmem:s21+$0x0] =	vst v4;
	_ =	sdelay $0x2  }
0x97: {  	v4 =	vmov s20;
	_ =	sdelay $0x1  }
0x98: {  	v5, _, _ =	vpop (xrf0)  }
0x99: {  	vm0 =	veq.s32 v3, v0;
	v5 =	vbroadcast v5, $0xF;
	_ =	sdelay $0x1  }
0x9a: {  	[tilespmem:v4+s11+$0x0] =	vst.idx.msk $0x1, v5;
	v2 =	vsel vm0, v5, v2  }
0x9b: {  	(xrf0) =	vmax.scan.msk.f32 $0xffff, v2;
	_ =	sdelay $0x2  }
.Ltmp2:
0x9c: {  	v2 =	vmov s18;
	(pc) =	sbr.rel @p0 .LBB2_6-.Ltmp2, $3  }
0x9d: {  	_ =	sdelay $0x1  }
0x9e: {  	v3, _, _ =	vpop (xrf0)  }
0x9f: {  	v3 =	vbroadcast v3, $0xF  }
0xa0: {  	_ =	sdelay $0x3  }
0xa1: {  	[tilespmem:v2+s9+$0x0] =	vst.idx.msk $0x1, v3  }
0xa2: {  	[tilespmem:s13], [sflag:$0x1] =	stream.indirect.gather [hbm4b:s1+s12], $0x8, s10, s12, $0xb8;
	[tilespmem:$0x2880] =	vst v63  }
0xa3: {  	s15 =	sadd.s32 $0x1, s15;
	_ =	swait.ge [sflag:s14], $0x400  }
0xa4: {  	p0 =	sne.s32 s15, s7;
	[sflag:s14] =	ssyncset.done $0x0  }
.Ltmp3:
0xa5: {  	[sflag:s14] =	ssyncadd.s32 $0xFFFFFC00;
	(pc) =	sbr.rel @p0 .LBB2_1-.Ltmp3, $4  }
0xa6: {  	[hbm4b:s6+s3] =	stream.linear.scatter [tilespmem:s13], [sflag:$0x2], $0x400, $0x38;
	[tilespmem:$0x2880] =	vst v63  }
0xa7: {  	_ =	swait.ge [sflag:s8], $0x400  }
0xa8: {  	[sflag:s8] =	ssyncset.done $0x0  }
0xa9: {  	[sflag:s8] =	ssyncadd.s32 $0xFFFFFC00  }
0xaa: {  	_ =	sfence.sel $0x180000  }
0xab: {  	[bflag:$0x0] =	sbarrier.arrive $0xFFFF  }
0xac: {  	p0 =	sne.s32 s2, $0x0;
	_ =	strace $0x90000047  }
0xad: {  	s0 =	sadd.s32 @!p0 $0x100000, s0;
	[bflag:$0x2] =	sbarrier.arrive $0xFFFF  }
0xae: {  	[sflag:s0] =	ssyncadd.tile.s32 @!p0 $0x1;
	_ =	shalt  }
.Lfunc_end2:
_tile_overlayer_lowered:
.L_overlay_start_2:
0xaf: {  	(tag) =	ssettag $0x2  }
0xb0: {  	s0 =	rddreg [dreg:$0x0];
	s2 =	stileid.u32  }
0xb1: {  	s1 =	rddreg [dreg:$0x1];
	p0 =	sne.s32 s2, $0x0  }
0xb2: {  	s3 =	rddreg [dreg:$0x2];
	[bflag:$0x3] =	sbarrier.arrive $0xFFFF;
	s2 =	simm.s32 @!p0 $0x1C02  }
0xb3: {  	[timem:s3], [sflag:s2] =	dma.local @!p0 [hbm:s0], s1  }
0xb4: {  	s0 =	simm.s32 @!p0 $0x2  }
0xb5: {  	_ =	swait.ge @!p0 [sflag:s0], s1  }
0xb6: {  	s1 =	ssub.s32 @!p0 $0x0, s1;
	[sflag:s0] =	ssyncset.done @!p0 $0x0  }
0xb7: {  	[sflag:s0] =	ssyncadd.s32 @!p0 s1  }
0xb8: {  	[bflag:$0x3] =	sbarrier.arrive $0xFFFF  }
0xb9: {  	_ =	shalt  }

</sc_bundles>
